<compile_context>
chip_gen: v7x
topology: tpu7x:2x2x1
jax: 0.10.2.dev20260603
libtpu: 0.0.44.dev20260713+nightly
codegen_flags: <defaults>
</compile_context>

<pallas_src>
import jax
import jax.numpy as jnp
from jax import lax
from jax.experimental import pallas as pl
from jax.experimental.pallas import tpu as pltpu
from jax.experimental.pallas import tpu_sc as plsc

IOU_G = 3.0
LOG2E = 1.4426950408889634
NEGK = -IOU_G * LOG2E
N = 3125
NPAD = 3328
BR = 1664
NBR = NPAD // BR
BC = 1664
NBC = NPAD // BC
NSAMP = 16


def _sc_compact_body(cls_hbm, lab_hbm, pb_hbm, lt_hbm,
                     a1_hbm, a2_hbm, npos_hbm,
                     cls_v, lab_v, pb_v, lt_v, a1_v, a2_v, cnt_v):
    w = lax.axis_index("s") * 2 + lax.axis_index("c")

    @pl.when(w < NSAMP)
    def _():
        pltpu.sync_copy(cls_hbm.at[w], cls_v)
        pltpu.sync_copy(lab_hbm.at[w], lab_v)
        pltpu.sync_copy(pb_hbm.at[w], pb_v)
        pltpu.sync_copy(lt_hbm.at[w], lt_v)

        nan16 = jnp.full((16,), jnp.nan, dtype=jnp.float32)

        def fill(i, carry):
            sl = pl.ds(i * 16, 16)
            a1_v[sl] = nan16
            a2_v[sl] = nan16
            return carry

        lax.fori_loop(0, NPAD // 16, fill, 0)

        tx1 = lt_v[0]
        ty1 = lt_v[1]
        tx2 = lt_v[2]
        ty2 = lt_v[3]
        ta = (tx2 - tx1) * (ty2 - ty1)

        def step(i, base_v):
            sl = pl.ds(i * 16, 16)
            c = cls_v[sl]
            lb = lab_v[sl]
            x1 = pb_v[0, sl]
            y1 = pb_v[1, sl]
            x2 = pb_v[2, sl]
            y2 = pb_v[3, sl]
            ww = jnp.maximum(jnp.minimum(tx2, x2) - jnp.maximum(tx1, x1), 0.0)
            hh = jnp.maximum(jnp.minimum(ty2, y2) - jnp.maximum(ty1, y1), 0.0)
            inter = ww * hh
            iou = inter / ((x2 - x1) * (y2 - y1) + ta - inter)
            a1 = NEGK * jnp.exp(c)
            a2 = NEGK * iou
            m = lb > 0
            mi = m.astype(jnp.int32)
            incl = plsc.cumsum(mi)
            excl = incl - mi
            lanes = lax.broadcasted_iota(jnp.int32, (16,), 0)
            posn = jnp.where(m, base_v + excl, NPAD + lanes)
            plsc.store_scatter(a1_v, [posn], a1)
            plsc.store_scatter(a2_v, [posn], a2)
            return base_v + jnp.broadcast_to(jnp.sum(mi), (16,))

        base0 = jnp.zeros((16,), jnp.int32)
        num_pos_v = lax.fori_loop(0, NPAD // 16, step, base0)

        cnt_v[...] = num_pos_v
        pltpu.sync_copy(a1_v.at[pl.ds(0, NPAD)], a1_hbm.at[w])
        pltpu.sync_copy(a2_v.at[pl.ds(0, NPAD)], a2_hbm.at[w])
        pltpu.sync_copy(cnt_v, npos_hbm.at[w])


def _sc_compact():
    return pl.kernel(
        _sc_compact_body,
        out_type=(
            jax.ShapeDtypeStruct((NSAMP, NPAD), jnp.float32),
            jax.ShapeDtypeStruct((NSAMP, NPAD), jnp.float32),
            jax.ShapeDtypeStruct((NSAMP, 16), jnp.int32),
        ),
        mesh=plsc.VectorSubcoreMesh(core_axis_name="c", subcore_axis_name="s"),
        compiler_params=pltpu.CompilerParams(needs_layout_passes=False),
        scratch_types=(
            pltpu.VMEM((NPAD,), jnp.float32),
            pltpu.VMEM((NPAD,), jnp.int32),
            pltpu.VMEM((4, NPAD), jnp.float32),
            pltpu.VMEM((4, 16), jnp.float32),
            pltpu.VMEM((NPAD + 16,), jnp.float32),
            pltpu.VMEM((NPAD + 16,), jnp.float32),
            pltpu.VMEM((16,), jnp.int32),
        ),
    )


def _pair_body(npos_ref, a1_c_ref, a2_c_ref, a1_r_ref, a2_r_ref,
               s1_ref, s2_ref):
    bidx = pl.program_id(0)
    cb = pl.program_id(1)
    rb = pl.program_id(2)

    @pl.when(rb == 0)
    def _init():
        s1_ref[0] = jnp.zeros((1, BC), jnp.float32)
        s2_ref[0] = jnp.zeros((1, BC), jnp.float32)

    npos = npos_ref[bidx]

    @pl.when((rb * BR < npos) & (cb * BC < npos))
    def _acc():
        a1_c = a1_c_ref[0]
        a2_c = a2_c_ref[0]
        a1_r = jnp.transpose(a1_r_ref[0], (1, 0))
        a2_r = jnp.transpose(a2_r_ref[0], (1, 0))

        idx_c = lax.broadcasted_iota(jnp.int32, (1, BC), 1) + cb * BC
        idx_r = lax.broadcasted_iota(jnp.int32, (BR, 1), 0) + rb * BR
        tie = idx_r < idx_c

        o1 = (a2_r < a2_c) | ((a2_r == a2_c) & tie)
        w1 = jnp.exp2(a1_r - a1_c)
        t1 = jnp.where(o1, w1, 0.0)

        o2 = (a1_r < a1_c) | ((a1_r == a1_c) & tie)
        w2 = jnp.exp2(a2_r - a2_c)
        t2 = jnp.where(o2, w2, 0.0)

        ones = jnp.ones((1, BR), jnp.float32)
        part1 = lax.dot_general(ones, t1, (((1,), (0,)), ((), ())),
                                preferred_element_type=jnp.float32)
        part2 = lax.dot_general(ones, t2, (((1,), (0,)), ((), ())),
                                preferred_element_type=jnp.float32)
        s1_ref[0] += part1
        s2_ref[0] += part2


def kernel(cls, label_cls, pred_bboxes, label_target):
    b = label_cls.shape[0]
    pad = NPAD - N

    cls1 = jnp.pad(cls[:, :, 1], ((0, 0), (0, pad)))
    lab = jnp.pad(label_cls.astype(jnp.int32), ((0, 0), (0, pad)))
    pb = jnp.pad(pred_bboxes, ((0, 0), (0, 0), (0, pad)))
    ltb = jnp.broadcast_to(label_target[:, :, None], (b, 4, 16))

    a1, a2, npos_rows = _sc_compact()(cls1, lab, pb, ltb)
    npos = npos_rows[:, 0]

    a1_c = a1.reshape(b, 1, NPAD)
    a2_c = a2.reshape(b, 1, NPAD)

    def _cmap(i, cb, rb, n):
        return (i, 0, cb)

    def _rmap(i, cb, rb, n):
        return (i, 0, rb)

    col = pl.BlockSpec((1, 1, BC), _cmap)
    row = pl.BlockSpec((1, 1, BR), _rmap)
    out = pl.BlockSpec((1, 1, BC), _cmap)

    grid_spec = pltpu.PrefetchScalarGridSpec(
        num_scalar_prefetch=1,
        grid=(b, NBC, NBR),
        in_specs=[col, col, row, row],
        out_specs=[out, out],
    )
    s1, s2 = pl.pallas_call(
        _pair_body,
        grid_spec=grid_spec,
        out_shape=[
            jax.ShapeDtypeStruct((b, 1, NPAD), jnp.float32),
            jax.ShapeDtypeStruct((b, 1, NPAD), jnp.float32),
        ],
    )(npos, a1_c, a2_c, a1_c, a2_c)

    sum1 = s1.sum(axis=(1, 2))
    sum2 = s2.sum(axis=(1, 2))

    denom = (npos * (npos - 1) // 2).astype(jnp.float32)
    loss1 = sum1 / denom
    loss2 = sum2 / denom
    valid = (npos > 0) & ~jnp.isnan(loss1) & ~jnp.isnan(loss2)
    cnt = valid.sum().astype(jnp.float32)
    any_valid = valid.any()
    safe_cnt = jnp.where(any_valid, cnt, jnp.asarray(1.0, jnp.float32))
    zero = jnp.asarray(0.0, jnp.float32)
    final1 = jnp.where(any_valid, jnp.where(valid, loss1, 0.0).sum() / safe_cnt, zero)
    final2 = jnp.where(any_valid, jnp.where(valid, loss2, 0.0).sum() / safe_cnt, zero)
    return (final1, final2)

# --- scband reference (transcript-rebuilt; emitter-appended) ---
"""Pipeline reference for scband-rank-igr-loss-13967233646995 (READ-ONLY COPY).

The authoritative reference and input builder live on the scoring server;
editing this copy changes nothing except your own understanding.
"""

import jax, jax.numpy as jnp
import numpy as np

IOU_GAMMA = 3.0


def _iou(rect1, rect2):
    x1, y1, x2, y2 = rect1[0], rect1[1], rect1[2], rect1[3]
    tx1, ty1, tx2, ty2 = rect2[0], rect2[1], rect2[2], rect2[3]
    xx1 = jnp.maximum(tx1, x1)
    yy1 = jnp.maximum(ty1, y1)
    xx2 = jnp.minimum(tx2, x2)
    yy2 = jnp.minimum(ty2, y2)
    ww = jnp.maximum(xx2 - xx1, 0.0)
    hh = jnp.maximum(yy2 - yy1, 0.0)
    area = (x2 - x1) * (y2 - y1)
    target_a = (tx2 - tx1) * (ty2 - ty1)
    inter = ww * hh
    return inter / (area + target_a - inter)


def setup_inputs(seed: int = 0):
    key = jax.random.key(seed)
    k1, k2, k3, k4 = jax.random.split(key, 4)
    cls = jax.random.normal(k1, (16, 3125, 2), dtype=jnp.float32)
    label_cls = jax.random.randint(k2, (16, 3125), 0, 2)
    pred_bboxes = jax.random.uniform(k3, (16, 4, 3125), dtype=jnp.float32)
    label_target = jax.random.uniform(k4, (16, 4), dtype=jnp.float32)
    return {"cls": cls, "label_cls": label_cls, "pred_bboxes": pred_bboxes, "label_target": label_target}


def reference(cls, label_cls, pred_bboxes, label_target):
    batch_size = label_cls.shape[0]
    label = label_cls.reshape(batch_size, -1)
    cls = cls.reshape(batch_size, -1, 2)
    n = label.shape[1]
    ii, jj = np.triu_indices(n, k=1)
    loss_all_1, loss_all_2, valid_all = [], [], []
    for i in range(batch_size):
        pos_mask = label[i] > 0
        num_pos = pos_mask.sum()
        # flagsigmoid=False branch: pos_prob = exp(cls[..., 1])
        pos_prob = jnp.exp(cls[i][:, 1])
        iou = _iou(pred_bboxes[i], label_target[i])
        iou_m = jnp.where(pos_mask, iou, -jnp.inf)
        iou_idx = jnp.argsort(-iou_m)
        p_rank = pos_prob[iou_idx]
        pair_valid = jj < num_pos
        denom = (num_pos * (num_pos - 1) // 2).astype(jnp.float32)
        vals1 = jnp.exp(-IOU_GAMMA * (p_rank[ii] - p_rank[jj]))
        loss1 = jnp.where(pair_valid, vals1, 0.0).sum() / denom
        prob_m = jnp.where(pos_mask, pos_prob, -jnp.inf)
        pos_prob_idx = jnp.argsort(-prob_m)
        iou_rank = iou[pos_prob_idx]
        vals2 = jnp.exp(-IOU_GAMMA * (iou_rank[ii] - jax.lax.stop_gradient(iou_rank[jj])))
        loss2 = jnp.where(pair_valid, vals2, 0.0).sum() / denom
        valid = (num_pos > 0) & jnp.logical_not(jnp.isnan(loss1)) & jnp.logical_not(jnp.isnan(loss2))
        loss_all_1.append(loss1)
        loss_all_2.append(loss2)
        valid_all.append(valid)
    loss1_arr = jnp.stack(loss_all_1)
    loss2_arr = jnp.stack(loss_all_2)
    valid_arr = jnp.stack(valid_all)
    cnt = valid_arr.sum().astype(jnp.float32)
    any_valid = valid_arr.any()
    safe_cnt = jnp.where(any_valid, cnt, jnp.asarray(1.0, jnp.float32))
    final_loss1 = jnp.where(
        any_valid,
        jnp.where(valid_arr, loss1_arr, 0.0).sum() / safe_cnt,
        jnp.asarray(0.0, jnp.float32),
    )
    final_loss2 = jnp.where(
        any_valid,
        jnp.where(valid_arr, loss2_arr, 0.0).sum() / safe_cnt,
        jnp.asarray(0.0, jnp.float32),
    )
    return (final_loss1, final_loss2)

if __name__ == "__main__":
    import jax
    _d = setup_inputs()
    print(jax.jit(kernel)(*tuple(_d.values())))

</pallas_src>

<mosaic_0001>
#map = affine_map<(d0, d1) -> (0, 0)>
#map1 = affine_map<(d0, d1) -> (0, 0, 0)>
module attributes {stable_mosaic.version = 14 : i64} {
  func.func @_sc_compact_body(%arg0: i32, %arg1: i32, %arg2: memref<16x3328xf32, #tpu.memory_space<hbm>>, %arg3: memref<16x3328xi32, #tpu.memory_space<hbm>>, %arg4: memref<16x4x3328xf32, #tpu.memory_space<hbm>>, %arg5: memref<16x4x16xf32, #tpu.memory_space<hbm>>, %arg6: memref<16x3328xf32, #tpu.memory_space<hbm>>, %arg7: memref<16x3328xf32, #tpu.memory_space<hbm>>, %arg8: memref<16x16xi32, #tpu.memory_space<hbm>>, %arg9: memref<3328xf32, #tpu.memory_space<vmem>>, %arg10: memref<3328xi32, #tpu.memory_space<vmem>>, %arg11: memref<4x3328xf32, #tpu.memory_space<vmem>>, %arg12: memref<4x16xf32, #tpu.memory_space<vmem>>, %arg13: memref<3344xf32, #tpu.memory_space<vmem>>, %arg14: memref<3344xf32, #tpu.memory_space<vmem>>, %arg15: memref<16xi32, #tpu.memory_space<vmem>>) attributes {dimension_semantics = [#tpu.dimension_semantics<core_parallel>, #tpu.dimension_semantics<subcore_parallel>], iteration_bounds = array<i64: 2, 16>, scalar_prefetch = 0 : i64, scratch_operands = 7 : i64, tpu.core_type = #tpu.core_type<sc_vector_subcore>, window_params = [{transform_indices = #map}, {transform_indices = #map}, {transform_indices = #map1}, {transform_indices = #map1}, {transform_indices = #map}, {transform_indices = #map}, {transform_indices = #map}]} {
    %mul3A = arith.constant 2 : i32
    %mul3A_0 = arith.muli %arg1, %mul3A : i32
    %add3A = arith.addi %mul3A_0, %arg0 : i32
    %lt3A = arith.constant 16 : i32
    %lt3A_1 = arith.cmpi slt, %add3A, %lt3A : i32
    %convert_element_type3A = arith.extui %lt3A_1 : i1 to i32
    %cond3A = arith.constant 0 : i32
    %cond3A_2 = arith.cmpi ne, %convert_element_type3A, %cond3A : i32
    scf.if %cond3A_2 {
      "tpu.region"() ({
        %run_scoped3A = tpu.sem_alloc : memref<!tpu.dma_semaphore, #tpu.memory_space<semaphore_mem>>
        %dma_start3A = arith.constant 0 : i32
        %dma_start3A_35 = tpu.memref_slice %arg2[%add3A, %dma_start3A] : memref<16x3328xf32, #tpu.memory_space<hbm>> -> memref<1x3328xf32, #tpu.memory_space<hbm>>
        %dma_start3A_36 = tpu.memref_squeeze %dma_start3A_35 : memref<1x3328xf32, #tpu.memory_space<hbm>> -> memref<3328xf32, #tpu.memory_space<hbm>>
        %dma_start3A_37 = arith.constant 0 : i32
        %dma_start3A_38 = tpu.memref_slice %arg2[%add3A, %dma_start3A_37] : memref<16x3328xf32, #tpu.memory_space<hbm>> -> memref<1x3328xf32, #tpu.memory_space<hbm>>
        %dma_start3A_39 = tpu.memref_squeeze %dma_start3A_38 : memref<1x3328xf32, #tpu.memory_space<hbm>> -> memref<3328xf32, #tpu.memory_space<hbm>>
        tpu.enqueue_dma source(%dma_start3A_39 : memref<3328xf32, #tpu.memory_space<hbm>>) target(%arg9 : memref<3328xf32, #tpu.memory_space<vmem>>) target_semaphore(%run_scoped3A : memref<!tpu.dma_semaphore, #tpu.memory_space<semaphore_mem>>)
        %dma_wait3A = arith.constant 0 : i32
        %dma_wait3A_40 = tpu.memref_slice %arg2[%add3A, %dma_wait3A] : memref<16x3328xf32, #tpu.memory_space<hbm>> -> memref<1x3328xf32, #tpu.memory_space<hbm>>
        %dma_wait3A_41 = tpu.memref_squeeze %dma_wait3A_40 : memref<1x3328xf32, #tpu.memory_space<hbm>> -> memref<3328xf32, #tpu.memory_space<hbm>>
        %dma_wait3A_42 = arith.constant 0 : i32
        %dma_wait3A_43 = tpu.memref_slice %arg2[%add3A, %dma_wait3A_42] : memref<16x3328xf32, #tpu.memory_space<hbm>> -> memref<1x3328xf32, #tpu.memory_space<hbm>>
        %dma_wait3A_44 = tpu.memref_squeeze %dma_wait3A_43 : memref<1x3328xf32, #tpu.memory_space<hbm>> -> memref<3328xf32, #tpu.memory_space<hbm>>
        tpu.wait_dma2 semaphore(%run_scoped3A : memref<!tpu.dma_semaphore, #tpu.memory_space<semaphore_mem>>) src(%dma_wait3A_44 : memref<3328xf32, #tpu.memory_space<hbm>>) dst(%arg9 : memref<3328xf32, #tpu.memory_space<vmem>>)
        tpu.yield
      }) : () -> ()
      "tpu.region"() ({
        %run_scoped3A = tpu.sem_alloc : memref<!tpu.dma_semaphore, #tpu.memory_space<semaphore_mem>>
        %dma_start3A = arith.constant 0 : i32
        %dma_start3A_35 = tpu.memref_slice %arg3[%add3A, %dma_start3A] : memref<16x3328xi32, #tpu.memory_space<hbm>> -> memref<1x3328xi32, #tpu.memory_space<hbm>>
        %dma_start3A_36 = tpu.memref_squeeze %dma_start3A_35 : memref<1x3328xi32, #tpu.memory_space<hbm>> -> memref<3328xi32, #tpu.memory_space<hbm>>
        %dma_start3A_37 = arith.constant 0 : i32
        %dma_start3A_38 = tpu.memref_slice %arg3[%add3A, %dma_start3A_37] : memref<16x3328xi32, #tpu.memory_space<hbm>> -> memref<1x3328xi32, #tpu.memory_space<hbm>>
        %dma_start3A_39 = tpu.memref_squeeze %dma_start3A_38 : memref<1x3328xi32, #tpu.memory_space<hbm>> -> memref<3328xi32, #tpu.memory_space<hbm>>
        tpu.enqueue_dma source(%dma_start3A_39 : memref<3328xi32, #tpu.memory_space<hbm>>) target(%arg10 : memref<3328xi32, #tpu.memory_space<vmem>>) target_semaphore(%run_scoped3A : memref<!tpu.dma_semaphore, #tpu.memory_space<semaphore_mem>>)
        %dma_wait3A = arith.constant 0 : i32
        %dma_wait3A_40 = tpu.memref_slice %arg3[%add3A, %dma_wait3A] : memref<16x3328xi32, #tpu.memory_space<hbm>> -> memref<1x3328xi32, #tpu.memory_space<hbm>>
        %dma_wait3A_41 = tpu.memref_squeeze %dma_wait3A_40 : memref<1x3328xi32, #tpu.memory_space<hbm>> -> memref<3328xi32, #tpu.memory_space<hbm>>
        %dma_wait3A_42 = arith.constant 0 : i32
        %dma_wait3A_43 = tpu.memref_slice %arg3[%add3A, %dma_wait3A_42] : memref<16x3328xi32, #tpu.memory_space<hbm>> -> memref<1x3328xi32, #tpu.memory_space<hbm>>
        %dma_wait3A_44 = tpu.memref_squeeze %dma_wait3A_43 : memref<1x3328xi32, #tpu.memory_space<hbm>> -> memref<3328xi32, #tpu.memory_space<hbm>>
        tpu.wait_dma2 semaphore(%run_scoped3A : memref<!tpu.dma_semaphore, #tpu.memory_space<semaphore_mem>>) src(%dma_wait3A_44 : memref<3328xi32, #tpu.memory_space<hbm>>) dst(%arg10 : memref<3328xi32, #tpu.memory_space<vmem>>)
        tpu.yield
      }) : () -> ()
      "tpu.region"() ({
        %run_scoped3A = tpu.sem_alloc : memref<!tpu.dma_semaphore, #tpu.memory_space<semaphore_mem>>
        %dma_start3A = arith.constant 0 : i32
        %dma_start3A_35 = arith.constant 0 : i32
        %dma_start3A_36 = tpu.memref_slice %arg4[%add3A, %dma_start3A, %dma_start3A_35] : memref<16x4x3328xf32, #tpu.memory_space<hbm>> -> memref<1x4x3328xf32, #tpu.memory_space<hbm>>
        %dma_start3A_37 = tpu.memref_squeeze %dma_start3A_36 : memref<1x4x3328xf32, #tpu.memory_space<hbm>> -> memref<4x3328xf32, #tpu.memory_space<hbm>>
        %dma_start3A_38 = arith.constant 0 : i32
        %dma_start3A_39 = arith.constant 0 : i32
        %dma_start3A_40 = tpu.memref_slice %arg4[%add3A, %dma_start3A_38, %dma_start3A_39] : memref<16x4x3328xf32, #tpu.memory_space<hbm>> -> memref<1x4x3328xf32, #tpu.memory_space<hbm>>
        %dma_start3A_41 = tpu.memref_squeeze %dma_start3A_40 : memref<1x4x3328xf32, #tpu.memory_space<hbm>> -> memref<4x3328xf32, #tpu.memory_space<hbm>>
        tpu.enqueue_dma source(%dma_start3A_41 : memref<4x3328xf32, #tpu.memory_space<hbm>>) target(%arg11 : memref<4x3328xf32, #tpu.memory_space<vmem>>) target_semaphore(%run_scoped3A : memref<!tpu.dma_semaphore, #tpu.memory_space<semaphore_mem>>)
        %dma_wait3A = arith.constant 0 : i32
        %dma_wait3A_42 = arith.constant 0 : i32
        %dma_wait3A_43 = tpu.memref_slice %arg4[%add3A, %dma_wait3A, %dma_wait3A_42] : memref<16x4x3328xf32, #tpu.memory_space<hbm>> -> memref<1x4x3328xf32, #tpu.memory_space<hbm>>
        %dma_wait3A_44 = tpu.memref_squeeze %dma_wait3A_43 : memref<1x4x3328xf32, #tpu.memory_space<hbm>> -> memref<4x3328xf32, #tpu.memory_space<hbm>>
        %dma_wait3A_45 = arith.constant 0 : i32
        %dma_wait3A_46 = arith.constant 0 : i32
        %dma_wait3A_47 = tpu.memref_slice %arg4[%add3A, %dma_wait3A_45, %dma_wait3A_46] : memref<16x4x3328xf32, #tpu.memory_space<hbm>> -> memref<1x4x3328xf32, #tpu.memory_space<hbm>>
        %dma_wait3A_48 = tpu.memref_squeeze %dma_wait3A_47 : memref<1x4x3328xf32, #tpu.memory_space<hbm>> -> memref<4x3328xf32, #tpu.memory_space<hbm>>
        tpu.wait_dma2 semaphore(%run_scoped3A : memref<!tpu.dma_semaphore, #tpu.memory_space<semaphore_mem>>) src(%dma_wait3A_48 : memref<4x3328xf32, #tpu.memory_space<hbm>>) dst(%arg11 : memref<4x3328xf32, #tpu.memory_space<vmem>>)
        tpu.yield
      }) : () -> ()
      "tpu.region"() ({
        %run_scoped3A = tpu.sem_alloc : memref<!tpu.dma_semaphore, #tpu.memory_space<semaphore_mem>>
        %dma_start3A = arith.constant 0 : i32
        %dma_start3A_35 = arith.constant 0 : i32
        %dma_start3A_36 = tpu.memref_slice %arg5[%add3A, %dma_start3A, %dma_start3A_35] : memref<16x4x16xf32, #tpu.memory_space<hbm>> -> memref<1x4x16xf32, #tpu.memory_space<hbm>>
        %dma_start3A_37 = tpu.memref_squeeze %dma_start3A_36 : memref<1x4x16xf32, #tpu.memory_space<hbm>> -> memref<4x16xf32, #tpu.memory_space<hbm>>
        %dma_start3A_38 = arith.constant 0 : i32
        %dma_start3A_39 = arith.constant 0 : i32
        %dma_start3A_40 = tpu.memref_slice %arg5[%add3A, %dma_start3A_38, %dma_start3A_39] : memref<16x4x16xf32, #tpu.memory_space<hbm>> -> memref<1x4x16xf32, #tpu.memory_space<hbm>>
        %dma_start3A_41 = tpu.memref_squeeze %dma_start3A_40 : memref<1x4x16xf32, #tpu.memory_space<hbm>> -> memref<4x16xf32, #tpu.memory_space<hbm>>
        tpu.enqueue_dma source(%dma_start3A_41 : memref<4x16xf32, #tpu.memory_space<hbm>>) target(%arg12 : memref<4x16xf32, #tpu.memory_space<vmem>>) target_semaphore(%run_scoped3A : memref<!tpu.dma_semaphore, #tpu.memory_space<semaphore_mem>>)
        %dma_wait3A = arith.constant 0 : i32
        %dma_wait3A_42 = arith.constant 0 : i32
        %dma_wait3A_43 = tpu.memref_slice %arg5[%add3A, %dma_wait3A, %dma_wait3A_42] : memref<16x4x16xf32, #tpu.memory_space<hbm>> -> memref<1x4x16xf32, #tpu.memory_space<hbm>>
        %dma_wait3A_44 = tpu.memref_squeeze %dma_wait3A_43 : memref<1x4x16xf32, #tpu.memory_space<hbm>> -> memref<4x16xf32, #tpu.memory_space<hbm>>
        %dma_wait3A_45 = arith.constant 0 : i32
        %dma_wait3A_46 = arith.constant 0 : i32
        %dma_wait3A_47 = tpu.memref_slice %arg5[%add3A, %dma_wait3A_45, %dma_wait3A_46] : memref<16x4x16xf32, #tpu.memory_space<hbm>> -> memref<1x4x16xf32, #tpu.memory_space<hbm>>
        %dma_wait3A_48 = tpu.memref_squeeze %dma_wait3A_47 : memref<1x4x16xf32, #tpu.memory_space<hbm>> -> memref<4x16xf32, #tpu.memory_space<hbm>>
        tpu.wait_dma2 semaphore(%run_scoped3A : memref<!tpu.dma_semaphore, #tpu.memory_space<semaphore_mem>>) src(%dma_wait3A_48 : memref<4x16xf32, #tpu.memory_space<hbm>>) dst(%arg12 : memref<4x16xf32, #tpu.memory_space<vmem>>)
        tpu.yield
      }) : () -> ()
      %broadcast_in_dim3A = arith.constant 0x7FC00000 : f32
      %broadcast_in_dim3A_3 = vector.broadcast %broadcast_in_dim3A : f32 to vector<16xf32>
      %scan3A = arith.constant 0 : i32
      %scan3A_4 = arith.constant 0 : i32
      %scan3A_5 = arith.constant 208 : i32
      %scan3A_6 = arith.addi %scan3A_4, %scan3A_5 : i32
      %scan3A_7 = arith.constant 1 : i32
      scf.for %scan3A_35 = %scan3A_4 to %scan3A_6 step %scan3A_7  : i32 {
        %mul3A_36 = arith.constant 16 : i32
        %mul3A_37 = arith.muli %scan3A_35, %mul3A_36 : i32
        %swap3A_38 = arith.index_cast %mul3A_37 : i32 to index
        %swap3A_39 = tpu.vector_load %arg13[%swap3A_38] {strides = array<i32>} : memref<3344xf32, #tpu.memory_space<vmem>>, vector<16xf32>,
        tpu.vector_store %arg13[%swap3A_38], %broadcast_in_dim3A_3 {strides = array<i32>} : memref<3344xf32, #tpu.memory_space<vmem>>, vector<16xf32>,
        %swap3A_40 = arith.index_cast %mul3A_37 : i32 to index
        %swap3A_41 = tpu.vector_load %arg14[%swap3A_40] {strides = array<i32>} : memref<3344xf32, #tpu.memory_space<vmem>>, vector<16xf32>,
        tpu.vector_store %arg14[%swap3A_40], %broadcast_in_dim3A_3 {strides = array<i32>} : memref<3344xf32, #tpu.memory_space<vmem>>, vector<16xf32>,
      }
      %scan3A_8 = arith.constant 208 : i32
      %get3A = arith.constant 0 : i32
      %get3A_9 = arith.index_cast %get3A : i32 to index
      %get3A_10 = arith.constant 0 : index
      %get3A_11 = tpu.vector_load %arg12[%get3A_9, %get3A_10] {strides = array<i32>} : memref<4x16xf32, #tpu.memory_space<vmem>>, vector<16xf32>,
      %get3A_12 = arith.constant 1 : i32
      %get3A_13 = arith.index_cast %get3A_12 : i32 to index
      %get3A_14 = arith.constant 0 : index
      %get3A_15 = tpu.vector_load %arg12[%get3A_13, %get3A_14] {strides = array<i32>} : memref<4x16xf32, #tpu.memory_space<vmem>>, vector<16xf32>,
      %get3A_16 = arith.constant 2 : i32
      %get3A_17 = arith.index_cast %get3A_16 : i32 to index
      %get3A_18 = arith.constant 0 : index
      %get3A_19 = tpu.vector_load %arg12[%get3A_17, %get3A_18] {strides = array<i32>} : memref<4x16xf32, #tpu.memory_space<vmem>>, vector<16xf32>,
      %get3A_20 = arith.constant 3 : i32
      %get3A_21 = arith.index_cast %get3A_20 : i32 to index
      %get3A_22 = arith.constant 0 : index
      %get3A_23 = tpu.vector_load %arg12[%get3A_21, %get3A_22] {strides = array<i32>} : memref<4x16xf32, #tpu.memory_space<vmem>>, vector<16xf32>,
      %sub3A = arith.subf %get3A_19, %get3A_11 : vector<16xf32>
      %sub3A_24 = arith.subf %get3A_23, %get3A_15 : vector<16xf32>
      %mul3A_25 = arith.mulf %sub3A, %sub3A_24 : vector<16xf32>
      %broadcast_in_dim3A_26 = arith.constant 0 : i32
      %broadcast_in_dim3A_27 = vector.broadcast %broadcast_in_dim3A_26 : i32 to vector<16xi32>
      %scan3A_28 = arith.constant 0 : i32
      %scan3A_29 = arith.constant 208 : i32
      %scan3A_30 = arith.addi %scan3A_28, %scan3A_29 : i32
      %scan3A_31 = arith.constant 1 : i32
      %scan3A_32 = scf.for %scan3A_35 = %scan3A_28 to %scan3A_30 step %scan3A_31 iter_args(%scan3A_36 = %broadcast_in_dim3A_27) -> (vector<16xi32>)  : i32 {
        %mul3A_37 = arith.constant 16 : i32
        %mul3A_38 = arith.muli %scan3A_35, %mul3A_37 : i32
        %get3A_39 = arith.index_cast %mul3A_38 : i32 to index
        %get3A_40 = tpu.vector_load %arg9[%get3A_39] {strides = array<i32>} : memref<3328xf32, #tpu.memory_space<vmem>>, vector<16xf32>,
        %get3A_41 = arith.index_cast %mul3A_38 : i32 to index
        %get3A_42 = tpu.vector_load %arg10[%get3A_41] {strides = array<i32>} : memref<3328xi32, #tpu.memory_space<vmem>>, vector<16xi32>,
        %get3A_43 = arith.constant 0 : i32
        %get3A_44 = arith.index_cast %get3A_43 : i32 to index
        %get3A_45 = arith.index_cast %mul3A_38 : i32 to index
        %get3A_46 = tpu.vector_load %arg11[%get3A_44, %get3A_45] {strides = array<i32>} : memref<4x3328xf32, #tpu.memory_space<vmem>>, vector<16xf32>,
        %get3A_47 = arith.constant 1 : i32
        %get3A_48 = arith.index_cast %get3A_47 : i32 to index
        %get3A_49 = arith.index_cast %mul3A_38 : i32 to index
        %get3A_50 = tpu.vector_load %arg11[%get3A_48, %get3A_49] {strides = array<i32>} : memref<4x3328xf32, #tpu.memory_space<vmem>>, vector<16xf32>,
        %get3A_51 = arith.constant 2 : i32
        %get3A_52 = arith.index_cast %get3A_51 : i32 to index
        %get3A_53 = arith.index_cast %mul3A_38 : i32 to index
        %get3A_54 = tpu.vector_load %arg11[%get3A_52, %get3A_53] {strides = array<i32>} : memref<4x3328xf32, #tpu.memory_space<vmem>>, vector<16xf32>,
        %get3A_55 = arith.constant 3 : i32
        %get3A_56 = arith.index_cast %get3A_55 : i32 to index
        %get3A_57 = arith.index_cast %mul3A_38 : i32 to index
        %get3A_58 = tpu.vector_load %arg11[%get3A_56, %get3A_57] {strides = array<i32>} : memref<4x3328xf32, #tpu.memory_space<vmem>>, vector<16xf32>,
        %min3A = arith.minimumf %get3A_19, %get3A_54 : vector<16xf32>
        %max3A = arith.maximumf %get3A_11, %get3A_46 : vector<16xf32>
        %sub3A_59 = arith.subf %min3A, %max3A : vector<16xf32>
        %max3A_60 = arith.constant 0.000000e+00 : f32
        %max3A_61 = vector.broadcast %max3A_60 : f32 to vector<16xf32>
        %max3A_62 = arith.maximumf %sub3A_59, %max3A_61 : vector<16xf32>
        %min3A_63 = arith.minimumf %get3A_23, %get3A_58 : vector<16xf32>
        %max3A_64 = arith.maximumf %get3A_15, %get3A_50 : vector<16xf32>
        %sub3A_65 = arith.subf %min3A_63, %max3A_64 : vector<16xf32>
        %max3A_66 = arith.constant 0.000000e+00 : f32
        %max3A_67 = vector.broadcast %max3A_66 : f32 to vector<16xf32>
        %max3A_68 = arith.maximumf %sub3A_65, %max3A_67 : vector<16xf32>
        %mul3A_69 = arith.mulf %max3A_62, %max3A_68 : vector<16xf32>
        %sub3A_70 = arith.subf %get3A_54, %get3A_46 : vector<16xf32>
        %sub3A_71 = arith.subf %get3A_58, %get3A_50 : vector<16xf32>
        %mul3A_72 = arith.mulf %sub3A_70, %sub3A_71 : vector<16xf32>
        %add3A_73 = arith.addf %mul3A_72, %mul3A_25 : vector<16xf32>
        %sub3A_74 = arith.subf %add3A_73, %mul3A_69 : vector<16xf32>
        %div3A = arith.divf %mul3A_69, %sub3A_74 : vector<16xf32>
        %exp3A = math.exp %get3A_40 : vector<16xf32>
        %mul3A_75 = arith.constant -4.32808495 : f32
        %mul3A_76 = vector.broadcast %mul3A_75 : f32 to vector<16xf32>
        %mul3A_77 = arith.mulf %mul3A_76, %exp3A : vector<16xf32>
        %mul3A_78 = arith.constant -4.32808495 : f32
        %mul3A_79 = vector.broadcast %mul3A_78 : f32 to vector<16xf32>
        %mul3A_80 = arith.mulf %mul3A_79, %div3A : vector<16xf32>
        %gt3A = arith.constant 0 : i32
        %gt3A_81 = vector.broadcast %gt3A : i32 to vector<16xi32>
        %gt3A_82 = arith.cmpi sgt, %get3A_42, %gt3A_81 : vector<16xi32>
        %convert_element_type3A_83 = arith.extui %gt3A_82 : vector<16xi1> to vector<16xi32>
        %broadcast_in_dim3A_84 = arith.constant true
        %broadcast_in_dim3A_85 = vector.broadcast %broadcast_in_dim3A_84 : i1 to vector<16xi1>
        %masked_cumsum3A = tpu.scan <sum>, %convert_element_type3A_83 masked %broadcast_in_dim3A_85 : vector<16xi32>, vector<16xi1> -> vector<16xi32>
        %sub3A_86 = arith.subi %masked_cumsum3A, %convert_element_type3A_83 : vector<16xi32>
        %iota3A = tpu.iota {dimensions = array<i32: 0>} : vector<16xi32>
        %add3A_87 = arith.addi %scan3A_36, %sub3A_86 : vector<16xi32>
        %add3A_88 = arith.constant 3328 : i32
        %add3A_89 = vector.broadcast %add3A_88 : i32 to vector<16xi32>
        %add3A_90 = arith.addi %add3A_89, %iota3A : vector<16xi32>
        %select_n3A = arith.select %gt3A_82, %add3A_87, %add3A_90 : vector<16xi1>, vector<16xi32>
        tpu.vector_store_idx %arg13[%select_n3A], %mul3A_77 : memref<3344xf32, #tpu.memory_space<vmem>>[vector<16xi32>], vector<16xf32>,
        tpu.vector_store_idx %arg14[%select_n3A], %mul3A_80 : memref<3344xf32, #tpu.memory_space<vmem>>[vector<16xi32>], vector<16xf32>,
        %reduce_sum3A = arith.constant true
        %reduce_sum3A_91 = vector.broadcast %reduce_sum3A : i1 to vector<16xi1>
        %reduce_sum3A_92 = tpu.scan <sum>, %convert_element_type3A_83 masked %reduce_sum3A_91 : vector<16xi32>, vector<16xi1> -> vector<16xi32>
        %reduce_sum3A_93 = vector.extract %reduce_sum3A_92[15] : i32 from vector<16xi32>
        %broadcast_in_dim3A_94 = vector.broadcast %reduce_sum3A_93 : i32 to vector<16xi32>
        %add3A_95 = arith.addi %scan3A_36, %broadcast_in_dim3A_94 : vector<16xi32>
        scf.yield %add3A_95 : vector<16xi32>
      }
      %scan3A_33 = arith.constant 208 : i32
      %swap3A = arith.constant 0 : index
      %swap3A_34 = tpu.vector_load %arg15[%swap3A] {strides = array<i32>} : memref<16xi32, #tpu.memory_space<vmem>>, vector<16xi32>,
      tpu.vector_store %arg15[%swap3A], %scan3A_32 {strides = array<i32>} : memref<16xi32, #tpu.memory_space<vmem>>, vector<16xi32>,
      "tpu.region"() ({
        %run_scoped3A = tpu.sem_alloc : memref<!tpu.dma_semaphore, #tpu.memory_space<semaphore_mem>>
        %dma_start3A = arith.constant 0 : i32
        %dma_start3A_35 = tpu.memref_slice %arg13[%dma_start3A] : memref<3344xf32, #tpu.memory_space<vmem>> -> memref<3328xf32, #tpu.memory_space<vmem>>
        %dma_start3A_36 = arith.constant 0 : i32
        %dma_start3A_37 = tpu.memref_slice %arg6[%add3A, %dma_start3A_36] : memref<16x3328xf32, #tpu.memory_space<hbm>> -> memref<1x3328xf32, #tpu.memory_space<hbm>>
        %dma_start3A_38 = tpu.memref_squeeze %dma_start3A_37 : memref<1x3328xf32, #tpu.memory_space<hbm>> -> memref<3328xf32, #tpu.memory_space<hbm>>
        %dma_start3A_39 = arith.constant 0 : i32
        %dma_start3A_40 = tpu.memref_slice %arg6[%add3A, %dma_start3A_39] : memref<16x3328xf32, #tpu.memory_space<hbm>> -> memref<1x3328xf32, #tpu.memory_space<hbm>>
        %dma_start3A_41 = tpu.memref_squeeze %dma_start3A_40 : memref<1x3328xf32, #tpu.memory_space<hbm>> -> memref<3328xf32, #tpu.memory_space<hbm>>
        %dma_start3A_42 = arith.constant 0 : i32
        %dma_start3A_43 = tpu.memref_slice %arg13[%dma_start3A_42] : memref<3344xf32, #tpu.memory_space<vmem>> -> memref<3328xf32, #tpu.memory_space<vmem>>
        tpu.enqueue_dma source(%dma_start3A_43 : memref<3328xf32, #tpu.memory_space<vmem>>) target(%dma_start3A_41 : memref<3328xf32, #tpu.memory_space<hbm>>) target_semaphore(%run_scoped3A : memref<!tpu.dma_semaphore, #tpu.memory_space<semaphore_mem>>)
        %dma_wait3A = arith.constant 0 : i32
        %dma_wait3A_44 = tpu.memref_slice %arg13[%dma_wait3A] : memref<3344xf32, #tpu.memory_space<vmem>> -> memref<3328xf32, #tpu.memory_space<vmem>>
        %dma_wait3A_45 = arith.constant 0 : i32
        %dma_wait3A_46 = tpu.memref_slice %arg6[%add3A, %dma_wait3A_45] : memref<16x3328xf32, #tpu.memory_space<hbm>> -> memref<1x3328xf32, #tpu.memory_space<hbm>>
        %dma_wait3A_47 = tpu.memref_squeeze %dma_wait3A_46 : memref<1x3328xf32, #tpu.memory_space<hbm>> -> memref<3328xf32, #tpu.memory_space<hbm>>
        %dma_wait3A_48 = arith.constant 0 : i32
        %dma_wait3A_49 = tpu.memref_slice %arg6[%add3A, %dma_wait3A_48] : memref<16x3328xf32, #tpu.memory_space<hbm>> -> memref<1x3328xf32, #tpu.memory_space<hbm>>
        %dma_wait3A_50 = tpu.memref_squeeze %dma_wait3A_49 : memref<1x3328xf32, #tpu.memory_space<hbm>> -> memref<3328xf32, #tpu.memory_space<hbm>>
        %dma_wait3A_51 = arith.constant 0 : i32
        %dma_wait3A_52 = tpu.memref_slice %arg13[%dma_wait3A_51] : memref<3344xf32, #tpu.memory_space<vmem>> -> memref<3328xf32, #tpu.memory_space<vmem>>
        tpu.wait_dma2 semaphore(%run_scoped3A : memref<!tpu.dma_semaphore, #tpu.memory_space<semaphore_mem>>) src(%dma_wait3A_52 : memref<3328xf32, #tpu.memory_space<vmem>>) dst(%dma_wait3A_50 : memref<3328xf32, #tpu.memory_space<hbm>>)
        tpu.yield
      }) : () -> ()
      "tpu.region"() ({
        %run_scoped3A = tpu.sem_alloc : memref<!tpu.dma_semaphore, #tpu.memory_space<semaphore_mem>>
        %dma_start3A = arith.constant 0 : i32
        %dma_start3A_35 = tpu.memref_slice %arg14[%dma_start3A] : memref<3344xf32, #tpu.memory_space<vmem>> -> memref<3328xf32, #tpu.memory_space<vmem>>
        %dma_start3A_36 = arith.constant 0 : i32
        %dma_start3A_37 = tpu.memref_slice %arg7[%add3A, %dma_start3A_36] : memref<16x3328xf32, #tpu.memory_space<hbm>> -> memref<1x3328xf32, #tpu.memory_space<hbm>>
        %dma_start3A_38 = tpu.memref_squeeze %dma_start3A_37 : memref<1x3328xf32, #tpu.memory_space<hbm>> -> memref<3328xf32, #tpu.memory_space<hbm>>
        %dma_start3A_39 = arith.constant 0 : i32
        %dma_start3A_40 = tpu.memref_slice %arg7[%add3A, %dma_start3A_39] : memref<16x3328xf32, #tpu.memory_space<hbm>> -> memref<1x3328xf32, #tpu.memory_space<hbm>>
        %dma_start3A_41 = tpu.memref_squeeze %dma_start3A_40 : memref<1x3328xf32, #tpu.memory_space<hbm>> -> memref<3328xf32, #tpu.memory_space<hbm>>
        %dma_start3A_42 = arith.constant 0 : i32
        %dma_start3A_43 = tpu.memref_slice %arg14[%dma_start3A_42] : memref<3344xf32, #tpu.memory_space<vmem>> -> memref<3328xf32, #tpu.memory_space<vmem>>
        tpu.enqueue_dma source(%dma_start3A_43 : memref<3328xf32, #tpu.memory_space<vmem>>) target(%dma_start3A_41 : memref<3328xf32, #tpu.memory_space<hbm>>) target_semaphore(%run_scoped3A : memref<!tpu.dma_semaphore, #tpu.memory_space<semaphore_mem>>)
        %dma_wait3A = arith.constant 0 : i32
        %dma_wait3A_44 = tpu.memref_slice %arg14[%dma_wait3A] : memref<3344xf32, #tpu.memory_space<vmem>> -> memref<3328xf32, #tpu.memory_space<vmem>>
        %dma_wait3A_45 = arith.constant 0 : i32
        %dma_wait3A_46 = tpu.memref_slice %arg7[%add3A, %dma_wait3A_45] : memref<16x3328xf32, #tpu.memory_space<hbm>> -> memref<1x3328xf32, #tpu.memory_space<hbm>>
        %dma_wait3A_47 = tpu.memref_squeeze %dma_wait3A_46 : memref<1x3328xf32, #tpu.memory_space<hbm>> -> memref<3328xf32, #tpu.memory_space<hbm>>
        %dma_wait3A_48 = arith.constant 0 : i32
        %dma_wait3A_49 = tpu.memref_slice %arg7[%add3A, %dma_wait3A_48] : memref<16x3328xf32, #tpu.memory_space<hbm>> -> memref<1x3328xf32, #tpu.memory_space<hbm>>
        %dma_wait3A_50 = tpu.memref_squeeze %dma_wait3A_49 : memref<1x3328xf32, #tpu.memory_space<hbm>> -> memref<3328xf32, #tpu.memory_space<hbm>>
        %dma_wait3A_51 = arith.constant 0 : i32
        %dma_wait3A_52 = tpu.memref_slice %arg14[%dma_wait3A_51] : memref<3344xf32, #tpu.memory_space<vmem>> -> memref<3328xf32, #tpu.memory_space<vmem>>
        tpu.wait_dma2 semaphore(%run_scoped3A : memref<!tpu.dma_semaphore, #tpu.memory_space<semaphore_mem>>) src(%dma_wait3A_52 : memref<3328xf32, #tpu.memory_space<vmem>>) dst(%dma_wait3A_50 : memref<3328xf32, #tpu.memory_space<hbm>>)
        tpu.yield
      }) : () -> ()
      "tpu.region"() ({
        %run_scoped3A = tpu.sem_alloc : memref<!tpu.dma_semaphore, #tpu.memory_space<semaphore_mem>>
        %dma_start3A = arith.constant 0 : i32
        %dma_start3A_35 = tpu.memref_slice %arg8[%add3A, %dma_start3A] : memref<16x16xi32, #tpu.memory_space<hbm>> -> memref<1x16xi32, #tpu.memory_space<hbm>>
        %dma_start3A_36 = tpu.memref_squeeze %dma_start3A_35 : memref<1x16xi32, #tpu.memory_space<hbm>> -> memref<16xi32, #tpu.memory_space<hbm>>
        %dma_start3A_37 = arith.constant 0 : i32
        %dma_start3A_38 = tpu.memref_slice %arg8[%add3A, %dma_start3A_37] : memref<16x16xi32, #tpu.memory_space<hbm>> -> memref<1x16xi32, #tpu.memory_space<hbm>>
        %dma_start3A_39 = tpu.memref_squeeze %dma_start3A_38 : memref<1x16xi32, #tpu.memory_space<hbm>> -> memref<16xi32, #tpu.memory_space<hbm>>
        tpu.enqueue_dma source(%arg15 : memref<16xi32, #tpu.memory_space<vmem>>) target(%dma_start3A_39 : memref<16xi32, #tpu.memory_space<hbm>>) target_semaphore(%run_scoped3A : memref<!tpu.dma_semaphore, #tpu.memory_space<semaphore_mem>>)
        %dma_wait3A = arith.constant 0 : i32
        %dma_wait3A_40 = tpu.memref_slice %arg8[%add3A, %dma_wait3A] : memref<16x16xi32, #tpu.memory_space<hbm>> -> memref<1x16xi32, #tpu.memory_space<hbm>>
        %dma_wait3A_41 = tpu.memref_squeeze %dma_wait3A_40 : memref<1x16xi32, #tpu.memory_space<hbm>> -> memref<16xi32, #tpu.memory_space<hbm>>
        %dma_wait3A_42 = arith.constant 0 : i32
        %dma_wait3A_43 = tpu.memref_slice %arg8[%add3A, %dma_wait3A_42] : memref<16x16xi32, #tpu.memory_space<hbm>> -> memref<1x16xi32, #tpu.memory_space<hbm>>
        %dma_wait3A_44 = tpu.memref_squeeze %dma_wait3A_43 : memref<1x16xi32, #tpu.memory_space<hbm>> -> memref<16xi32, #tpu.memory_space<hbm>>
        tpu.wait_dma2 semaphore(%run_scoped3A : memref<!tpu.dma_semaphore, #tpu.memory_space<semaphore_mem>>) src(%arg15 : memref<16xi32, #tpu.memory_space<vmem>>) dst(%dma_wait3A_44 : memref<16xi32, #tpu.memory_space<hbm>>)
        tpu.yield
      }) : () -> ()
    } else {
    }
    return
  }
}

module attributes {stable_mosaic.version = 14 : i64} {
  func.func @_pair_body(%arg0: i32, %arg1: i32, %arg2: i32, %arg3: memref<16xi32, #tpu.memory_space<smem>>, %arg4: memref<1x1x1664xf32, #tpu.memory_space<vmem>>, %arg5: memref<1x1x1664xf32, #tpu.memory_space<vmem>>, %arg6: memref<1x1x1664xf32, #tpu.memory_space<vmem>>, %arg7: memref<1x1x1664xf32, #tpu.memory_space<vmem>>, %arg8: memref<1x1x1664xf32, #tpu.memory_space<vmem>>, %arg9: memref<1x1x1664xf32, #tpu.memory_space<vmem>>) attributes {dimension_semantics = [#tpu.dimension_semantics<arbitrary>, #tpu.dimension_semantics<arbitrary>, #tpu.dimension_semantics<arbitrary>], iteration_bounds = array<i64: 16, 2, 2>, scalar_prefetch = 1 : i64, scratch_operands = 0 : i64, tpu.core_type = #tpu.core_type<tc>, window_params = [{transform_indices = @transform_0, window_bounds = array<i64: 1, 1, 1664>}, {transform_indices = @transform_1, window_bounds = array<i64: 1, 1, 1664>}, {transform_indices = @transform_2, window_bounds = array<i64: 1, 1, 1664>}, {transform_indices = @transform_3, window_bounds = array<i64: 1, 1, 1664>}, {transform_indices = @transform_4, window_bounds = array<i64: 1, 1, 1664>}, {transform_indices = @transform_5, window_bounds = array<i64: 1, 1, 1664>}]} {
    %eq3A = arith.constant 0 : i32
    %eq3A_0 = arith.cmpi eq, %arg2, %eq3A : i32
    %convert_element_type3A = arith.extui %eq3A_0 : i1 to i32
    %cond3A = arith.constant 0 : i32
    %cond3A_1 = arith.cmpi ne, %convert_element_type3A, %cond3A : i32
    scf.if %cond3A_1 {
      %broadcast_in_dim3A = arith.constant 0.000000e+00 : f32
      %broadcast_in_dim3A_10 = vector.broadcast %broadcast_in_dim3A : f32 to vector<1x1664xf32>
      %swap3A = arith.constant 0 : index
      %swap3A_11 = arith.constant 0 : index
      %swap3A_12 = arith.constant 0 : index
      %swap3A_13 = vector.load %arg8[%swap3A, %swap3A_11, %swap3A_12] : memref<1x1x1664xf32, #tpu.memory_space<vmem>>, vector<1x1x1664xf32>
      %swap3A_14 = vector.shape_cast %swap3A_13 : vector<1x1x1664xf32> to vector<1x1664xf32>
      %swap3A_15 = vector.shape_cast %broadcast_in_dim3A_10 : vector<1x1664xf32> to vector<1x1x1664xf32>
      tpu.vector_store %arg8[%swap3A, %swap3A_11, %swap3A_12], %swap3A_15 {strides = array<i32>} : memref<1x1x1664xf32, #tpu.memory_space<vmem>>, vector<1x1x1664xf32>,
      %broadcast_in_dim3A_16 = arith.constant 0.000000e+00 : f32
      %broadcast_in_dim3A_17 = vector.broadcast %broadcast_in_dim3A_16 : f32 to vector<1x1664xf32>
      %swap3A_18 = arith.constant 0 : index
      %swap3A_19 = arith.constant 0 : index
      %swap3A_20 = arith.constant 0 : index
      %swap3A_21 = vector.load %arg9[%swap3A_18, %swap3A_19, %swap3A_20] : memref<1x1x1664xf32, #tpu.memory_space<vmem>>, vector<1x1x1664xf32>
      %swap3A_22 = vector.shape_cast %swap3A_21 : vector<1x1x1664xf32> to vector<1x1664xf32>
      %swap3A_23 = vector.shape_cast %broadcast_in_dim3A_17 : vector<1x1664xf32> to vector<1x1x1664xf32>
      tpu.vector_store %arg9[%swap3A_18, %swap3A_19, %swap3A_20], %swap3A_23 {strides = array<i32>} : memref<1x1x1664xf32, #tpu.memory_space<vmem>>, vector<1x1x1664xf32>,
    } else {
    }
    %get3A = arith.index_cast %arg0 : i32 to index
    %get3A_2 = memref.load %arg3[%get3A] : memref<16xi32, #tpu.memory_space<smem>>
    %mul3A = arith.constant 1664 : i32
    %mul3A_3 = arith.muli %arg2, %mul3A : i32
    %lt3A = arith.cmpi slt, %mul3A_3, %get3A_2 : i32
    %mul3A_4 = arith.constant 1664 : i32
    %mul3A_5 = arith.muli %arg1, %mul3A_4 : i32
    %lt3A_6 = arith.cmpi slt, %mul3A_5, %get3A_2 : i32
    %and3A = arith.andi %lt3A, %lt3A_6 : i1
    %convert_element_type3A_7 = arith.extui %and3A : i1 to i32
    %cond3A_8 = arith.constant 0 : i32
    %cond3A_9 = arith.cmpi ne, %convert_element_type3A_7, %cond3A_8 : i32
    scf.if %cond3A_9 {
      %get3A_10 = arith.constant 0 : index
      %get3A_11 = arith.constant 0 : index
      %get3A_12 = arith.constant 0 : index
      %get3A_13 = vector.load %arg4[%get3A_10, %get3A_11, %get3A_12] : memref<1x1x1664xf32, #tpu.memory_space<vmem>>, vector<1x1x1664xf32>
      %get3A_14 = vector.shape_cast %get3A_13 : vector<1x1x1664xf32> to vector<1x1664xf32>
      %get3A_15 = arith.constant 0 : index
      %get3A_16 = arith.constant 0 : index
      %get3A_17 = arith.constant 0 : index
      %get3A_18 = vector.load %arg5[%get3A_15, %get3A_16, %get3A_17] : memref<1x1x1664xf32, #tpu.memory_space<vmem>>, vector<1x1x1664xf32>
      %get3A_19 = vector.shape_cast %get3A_18 : vector<1x1x1664xf32> to vector<1x1664xf32>
      %get3A_20 = arith.constant 0 : index
      %get3A_21 = arith.constant 0 : index
      %get3A_22 = arith.constant 0 : index
      %get3A_23 = vector.load %arg6[%get3A_20, %get3A_21, %get3A_22] : memref<1x1x1664xf32, #tpu.memory_space<vmem>>, vector<1x1x1664xf32>
      %get3A_24 = vector.shape_cast %get3A_23 : vector<1x1x1664xf32> to vector<1x1664xf32>
      %transpose3A = tpu.transpose %get3A_24, [1, 0] : vector<1x1664xf32> -> vector<1664x1xf32>
      %get3A_25 = arith.constant 0 : index
      %get3A_26 = arith.constant 0 : index
      %get3A_27 = arith.constant 0 : index
      %get3A_28 = vector.load %arg7[%get3A_25, %get3A_26, %get3A_27] : memref<1x1x1664xf32, #tpu.memory_space<vmem>>, vector<1x1x1664xf32>
      %get3A_29 = vector.shape_cast %get3A_28 : vector<1x1x1664xf32> to vector<1x1664xf32>
      %transpose3A_30 = tpu.transpose %get3A_29, [1, 0] : vector<1x1664xf32> -> vector<1664x1xf32>
      %iota3A = tpu.iota {dimensions = array<i32: 1>} : vector<1x1664xi32>
      %mul3A_31 = arith.constant 1664 : i32
      %mul3A_32 = arith.muli %arg1, %mul3A_31 : i32
      %add3A = vector.broadcast %mul3A_32 : i32 to vector<1x1664xi32>
      %add3A_33 = arith.addi %iota3A, %add3A : vector<1x1664xi32>
      %iota3A_34 = tpu.iota {dimensions = array<i32: 0>} : vector<1664x1xi32>
      %mul3A_35 = arith.constant 1664 : i32
      %mul3A_36 = arith.muli %arg2, %mul3A_35 : i32
      %add3A_37 = vector.broadcast %mul3A_36 : i32 to vector<1664x1xi32>
      %add3A_38 = arith.addi %iota3A_34, %add3A_37 : vector<1664x1xi32>
      %lt3A_39 = vector.broadcast %add3A_38 : vector<1664x1xi32> to vector<1664x1664xi32>
      %lt3A_40 = vector.broadcast %add3A_33 : vector<1x1664xi32> to vector<1664x1664xi32>
      %lt3A_41 = arith.cmpi slt, %lt3A_39, %lt3A_40 : vector<1664x1664xi32>
      %lt3A_42 = vector.broadcast %transpose3A_30 : vector<1664x1xf32> to vector<1664x1664xf32>
      %lt3A_43 = vector.broadcast %get3A_19 : vector<1x1664xf32> to vector<1664x1664xf32>
      %lt3A_44 = arith.cmpf olt, %lt3A_42, %lt3A_43 : vector<1664x1664xf32>
      %eq3A_45 = vector.broadcast %transpose3A_30 : vector<1664x1xf32> to vector<1664x1664xf32>
      %eq3A_46 = vector.broadcast %get3A_19 : vector<1x1664xf32> to vector<1664x1664xf32>
      %eq3A_47 = arith.cmpf oeq, %eq3A_45, %eq3A_46 : vector<1664x1664xf32>
      %and3A_48 = arith.andi %eq3A_47, %lt3A_41 : vector<1664x1664xi1>
      %or3A = arith.ori %lt3A_44, %and3A_48 : vector<1664x1664xi1>
      %sub3A = vector.broadcast %transpose3A : vector<1664x1xf32> to vector<1664x1664xf32>
      %sub3A_49 = vector.broadcast %get3A_14 : vector<1x1664xf32> to vector<1664x1664xf32>
      %sub3A_50 = arith.subf %sub3A, %sub3A_49 : vector<1664x1664xf32>
      %exp23A = math.exp2 %sub3A_50 : vector<1664x1664xf32>
      %jit3A = arith.constant 0.000000e+00 : f32
      %broadcast_in_dim3A = vector.broadcast %jit3A : f32 to vector<1664x1664xf32>
      %select_n3A = arith.select %or3A, %exp23A, %broadcast_in_dim3A : vector<1664x1664xi1>, vector<1664x1664xf32>
      %lt3A_51 = vector.broadcast %transpose3A : vector<1664x1xf32> to vector<1664x1664xf32>
      %lt3A_52 = vector.broadcast %get3A_14 : vector<1x1664xf32> to vector<1664x1664xf32>
      %lt3A_53 = arith.cmpf olt, %lt3A_51, %lt3A_52 : vector<1664x1664xf32>
      %eq3A_54 = vector.broadcast %transpose3A : vector<1664x1xf32> to vector<1664x1664xf32>
      %eq3A_55 = vector.broadcast %get3A_14 : vector<1x1664xf32> to vector<1664x1664xf32>
      %eq3A_56 = arith.cmpf oeq, %eq3A_54, %eq3A_55 : vector<1664x1664xf32>
      %and3A_57 = arith.andi %eq3A_56, %lt3A_41 : vector<1664x1664xi1>
      %or3A_58 = arith.ori %lt3A_53, %and3A_57 : vector<1664x1664xi1>
      %sub3A_59 = vector.broadcast %transpose3A_30 : vector<1664x1xf32> to vector<1664x1664xf32>
      %sub3A_60 = vector.broadcast %get3A_19 : vector<1x1664xf32> to vector<1664x1664xf32>
      %sub3A_61 = arith.subf %sub3A_59, %sub3A_60 : vector<1664x1664xf32>
      %exp23A_62 = math.exp2 %sub3A_61 : vector<1664x1664xf32>
      %jit3A_63 = arith.constant 0.000000e+00 : f32
      %broadcast_in_dim3A_64 = vector.broadcast %jit3A_63 : f32 to vector<1664x1664xf32>
      %select_n3A_65 = arith.select %or3A_58, %exp23A_62, %broadcast_in_dim3A_64 : vector<1664x1664xi1>, vector<1664x1664xf32>
      %broadcast_in_dim3A_66 = arith.constant 1.000000e+00 : f32
      %broadcast_in_dim3A_67 = vector.broadcast %broadcast_in_dim3A_66 : f32 to vector<1x1664xf32>
      %dot_general3A = arith.constant dense<0.000000e+00> : vector<1x1664xf32>
      %dot_general3A_68 = tpu.matmul %broadcast_in_dim3A_67, %select_n3A, %dot_general3A {dimension_numbers = #tpu.dot_dimension_numbers<[1], [0], [0], [1], [0, 0, 1, 1], [], []>, transpose_lhs_hint = false} : vector<1x1664xf32>, vector<1664x1664xf32>, vector<1x1664xf32> -> vector<1x1664xf32>
      %dot_general3A_69 = arith.constant dense<0.000000e+00> : vector<1x1664xf32>
      %dot_general3A_70 = tpu.matmul %broadcast_in_dim3A_67, %select_n3A_65, %dot_general3A_69 {dimension_numbers = #tpu.dot_dimension_numbers<[1], [0], [0], [1], [0, 0, 1, 1], [], []>, transpose_lhs_hint = false} : vector<1x1664xf32>, vector<1664x1664xf32>, vector<1x1664xf32> -> vector<1x1664xf32>
      %get3A_71 = arith.constant 0 : index
      %get3A_72 = arith.constant 0 : index
      %get3A_73 = arith.constant 0 : index
      %get3A_74 = vector.load %arg8[%get3A_71, %get3A_72, %get3A_73] : memref<1x1x1664xf32, #tpu.memory_space<vmem>>, vector<1x1x1664xf32>
      %get3A_75 = vector.shape_cast %get3A_74 : vector<1x1x1664xf32> to vector<1x1664xf32>
      %add3A_76 = arith.addf %get3A_75, %dot_general3A_68 : vector<1x1664xf32>
      %swap3A = arith.constant 0 : index
      %swap3A_77 = arith.constant 0 : index
      %swap3A_78 = arith.constant 0 : index
      %swap3A_79 = vector.load %arg8[%swap3A, %swap3A_77, %swap3A_78] : memref<1x1x1664xf32, #tpu.memory_space<vmem>>, vector<1x1x1664xf32>
      %swap3A_80 = vector.shape_cast %swap3A_79 : vector<1x1x1664xf32> to vector<1x1664xf32>
      %swap3A_81 = vector.shape_cast %add3A_76 : vector<1x1664xf32> to vector<1x1x1664xf32>
      tpu.vector_store %arg8[%swap3A, %swap3A_77, %swap3A_78], %swap3A_81 {strides = array<i32>} : memref<1x1x1664xf32, #tpu.memory_space<vmem>>, vector<1x1x1664xf32>,
      %get3A_82 = arith.constant 0 : index
      %get3A_83 = arith.constant 0 : index
      %get3A_84 = arith.constant 0 : index
      %get3A_85 = vector.load %arg9[%get3A_82, %get3A_83, %get3A_84] : memref<1x1x1664xf32, #tpu.memory_space<vmem>>, vector<1x1x1664xf32>
      %get3A_86 = vector.shape_cast %get3A_85 : vector<1x1x1664xf32> to vector<1x1664xf32>
      %add3A_87 = arith.addf %get3A_86, %dot_general3A_70 : vector<1x1664xf32>
      %swap3A_88 = arith.constant 0 : index
      %swap3A_89 = arith.constant 0 : index
      %swap3A_90 = arith.constant 0 : index
      %swap3A_91 = vector.load %arg9[%swap3A_88, %swap3A_89, %swap3A_90] : memref<1x1x1664xf32, #tpu.memory_space<vmem>>, vector<1x1x1664xf32>
      %swap3A_92 = vector.shape_cast %swap3A_91 : vector<1x1x1664xf32> to vector<1x1664xf32>
      %swap3A_93 = vector.shape_cast %add3A_87 : vector<1x1664xf32> to vector<1x1x1664xf32>
      tpu.vector_store %arg9[%swap3A_88, %swap3A_89, %swap3A_90], %swap3A_93 {strides = array<i32>} : memref<1x1x1664xf32, #tpu.memory_space<vmem>>, vector<1x1x1664xf32>,
    } else {
    }
    return
  }
  func.func @transform_0(%arg0: i32, %arg1: i32, %arg2: i32, %arg3: memref<16xi32, #tpu.memory_space<smem>>) -> (i32, i32, i32) {
    %c0_i32 = arith.constant 0 : i32
    %c0_i32_0 = arith.constant 0 : i32
    return %arg0, %c0_i32, %arg1 : i32, i32, i32
  }
  func.func @transform_1(%arg0: i32, %arg1: i32, %arg2: i32, %arg3: memref<16xi32, #tpu.memory_space<smem>>) -> (i32, i32, i32) {
    %c0_i32 = arith.constant 0 : i32
    %c0_i32_0 = arith.constant 0 : i32
    return %arg0, %c0_i32, %arg1 : i32, i32, i32
  }
  func.func @transform_2(%arg0: i32, %arg1: i32, %arg2: i32, %arg3: memref<16xi32, #tpu.memory_space<smem>>) -> (i32, i32, i32) {
    %c0_i32 = arith.constant 0 : i32
    %c0_i32_0 = arith.constant 0 : i32
    return %arg0, %c0_i32, %arg2 : i32, i32, i32
  }
  func.func @transform_3(%arg0: i32, %arg1: i32, %arg2: i32, %arg3: memref<16xi32, #tpu.memory_space<smem>>) -> (i32, i32, i32) {
    %c0_i32 = arith.constant 0 : i32
    %c0_i32_0 = arith.constant 0 : i32
    return %arg0, %c0_i32, %arg2 : i32, i32, i32
  }
  func.func @transform_4(%arg0: i32, %arg1: i32, %arg2: i32, %arg3: memref<16xi32, #tpu.memory_space<smem>>) -> (i32, i32, i32) {
    %c0_i32 = arith.constant 0 : i32
    %c0_i32_0 = arith.constant 0 : i32
    return %arg0, %c0_i32, %arg1 : i32, i32, i32
  }
  func.func @transform_5(%arg0: i32, %arg1: i32, %arg2: i32, %arg3: memref<16xi32, #tpu.memory_space<smem>>) -> (i32, i32, i32) {
    %c0_i32 = arith.constant 0 : i32
    %c0_i32_0 = arith.constant 0 : i32
    return %arg0, %c0_i32, %arg1 : i32, i32, i32
  }
}

</mosaic_0001>

<sc_bundles>
// kernel: kernel.4.cloned.1.call-start
scs
__scs_entry_jumppad:
0x0: {  	(pc) =	sbr.rel $0x88, $3  }
0x1: {  	(tag) =	ssettag $0x0;
	lr =	simm.s32 $0x1  }
0x2: {  	[smem:$0x3F9D] =	sst lr;
	_ =	strace $0xD0000000  }
0x3: {  	_ = 	snop  }
0x4: {  	_ = 	snop  }
0x5: {  	_ = 	snop  }
0x6: {  	_ = 	snop  }
0x7: {  	_ = 	snop  }
__scs_overlays_trampoline_lowered:
0x8: {  	[smem:$0x3FAC] =	sst s0  }
0x9: {  	[smem:$0x3FAD] =	sst s1  }
0xa: {  	[smem:$0x3FAE] =	sst s2  }
0xb: {  	[smem:$0x3FAF] =	sst s3  }
0xc: {  	[smem:$0x3FB0] =	sst s4  }
0xd: {  	[smem:$0x3FB1] =	sst s5  }
0xe: {  	[smem:$0x3FB2] =	sst s6  }
0xf: {  	[smem:$0x3FB3] =	sst s7  }
0x10: {  	[smem:$0x3FB4] =	sst s8  }
0x11: {  	[smem:$0x3FB5] =	sst s9;
	s0 =	simm.s32 @!p0 $0x0  }
0x12: {  	s1 =	sld [smem:$0x3F9B];
	s0 =	simm.s32 @p0 $0x1  }
0x13: {  	[smem:$0x3FB6] =	sst s0;
	s0 =	simm.s32 @!p1 $0x0  }
0x14: {  	s2 =	sld [smem:$0x3F9A];
	s0 =	simm.s32 @p1 $0x1  }
0x15: {  	[smem:$0x3FB7] =	sst s0;
	s0 =	simm.s32 @!p2 $0x0  }
0x16: {  	s3 =	sld [smem:$0x3FDB];
	s0 =	simm.s32 @p2 $0x1  }
0x17: {  	s4 =	simm.s32 $0x1BF5;
	[smem:$0x3FB9] =	sst s0  }
0x18: {  	s0 =	sld [smem:$0x3F9C];
	_ =	swait.ge [sflag:s4], $0x0  }
0x19: {  	s7 =	sld [smem:$0x3F9D]  }
0x1a: {  	s8 =	sadd.s32 $0xFFFFE003, lr  }
0x1b: {  	s9 =	sadd.s32 $0xFFFFFEF7, lr;
	s5 =	simm.s32 $0xFFFFFFFF;
	p2 =	slt.u32 s8, $0xFFFFF086  }
0x1c: {  	p1 =	slt.u32 s9, $0xF7A;
	s5 =	simm.s32 @!p2 $0x0  }
0x1d: {  	s5 =	simm.s32 @p1 $0x1;
	p0 =	seq.s32 s7, s2  }
0x1e: {  	s7 =	smul.u32 @!p0 $0xF7A, s2;
	p2 =	seq.s32 @!p0 s5, $0x0  }
0x1f: {  	s9 =	smul.u32 $0xF7A, s1;
	s8 =	simm.s32 @!p0 $0x1BF5;
	p2 =	por !p2, p0  }
0x20: {  	[sflag:s8] =	ssyncset.s32 @!p0 $0xFFFFF086;
	s6 =	sadd.s32 @!p0 s3, s7;
	s7 =	simm.s32 @!p0 $0x108  }
0x21: {  	s3 =	sadd.s32 s3, s9;
	s6 =	sadd.s32 @!p0 $0x88, s6;
	s7 =	simm.s32 @p2 $0x1082  }
0x22: {  	[simem:s7], [sflag:s8] =	dma.local @!p0 [hbm:s6], $0xF7A  }
0x23: {  	s9 =	sor.u32 $0xD0000000, s2;
	s6 =	simm.s32 $0x108;
	_ =	swait.ge @!p0 [sflag:s8], $0x0  }
0x24: {  	s3 =	sadd.s32 $0x88, s3;
	s6 =	simm.s32 @!p1 $0x1082;
	[sflag:s4] =	ssyncset.s32 $0xFFFFF086  }
0x25: {  	[simem:s6], [sflag:s4] =	dma.local [hbm:s3], $0xF7A  }
0x26: {  	[smem:$0x3F9D] =	sst s1;
	(tag) =	ssettag s2;
	_ =	strace s9  }
0x27: {  	s1 =	sld [smem:$0x3FAD]  }
0x28: {  	s2 =	sld [smem:$0x3FAE]  }
0x29: {  	s4 =	sld [smem:$0x3FB0]  }
0x2a: {  	p0 =	seq.s32 s5, $0x0;
	s5 =	sld [smem:$0x3FB1]  }
0x2b: {  	s6 =	sld [smem:$0x3FB2]  }
0x2c: {  	s7 =	sld [smem:$0x3FB3]  }
0x2d: {  	s3 =	simm.s32 $0x108;
	s8 =	sld [smem:$0x3FB4]  }
0x2e: {  	s3 =	simm.s32 @!p0 $0x1082;
	s9 =	sld [smem:$0x3FB5]  }
0x2f: {  	lr =	sadd.s32 s0, s3;
	s0 =	sld [smem:$0x3FAC]  }
0x30: {  	s3 =	sld [smem:$0x3FAF]  }
0x31: {  	[smem:$0x3FB8] =	sst s10  }
0x32: {  	s10 =	sld [smem:$0x3FB6];
	_ =	sdelay $0x3  }
0x33: {  	p0 =	seq.s32 s10, $0x1;
	s10 =	sld [smem:$0x3FB8];
	_ =	sdelay $0x3  }
0x34: {  	[smem:$0x3FB8] =	sst s10  }
0x35: {  	s10 =	sld [smem:$0x3FB7];
	_ =	sdelay $0x3  }
0x36: {  	p1 =	seq.s32 s10, $0x1;
	s10 =	sld [smem:$0x3FB8];
	_ =	sdelay $0x3  }
0x37: {  	[smem:$0x3FB8] =	sst s10  }
0x38: {  	s10 =	sld [smem:$0x3FB9]  }
0x39: {  	_ = 	snop;
	(pc) =	sbr.ind lr, $3  }
0x3a: {  	_ = 	snop  }
0x3b: {  	_ = 	snop  }
0x3c: {  	p2 =	seq.s32 s10, $0x1;
	s10 =	sld [smem:$0x3FB8]  }
0x3d: {  	_ =	shalt  }
0x3e: {  	_ =	shalt  }
0x3f: {  	_ =	shalt  }
0x40: {  	_ =	shalt  }
0x41: {  	_ =	shalt  }
0x42: {  	_ =	shalt  }
0x43: {  	_ =	shalt  }
0x44: {  	_ =	shalt  }
0x45: {  	_ =	shalt  }
0x46: {  	_ =	shalt  }
0x47: {  	_ =	shalt  }
0x48: {  	_ =	shalt  }
0x49: {  	_ =	shalt  }
0x4a: {  	_ =	shalt  }
0x4b: {  	_ =	shalt  }
0x4c: {  	_ =	shalt  }
0x4d: {  	_ =	shalt  }
0x4e: {  	_ =	shalt  }
0x4f: {  	_ =	shalt  }
0x50: {  	_ =	shalt  }
0x51: {  	_ =	shalt  }
0x52: {  	_ =	shalt  }
0x53: {  	_ =	shalt  }
0x54: {  	_ =	shalt  }
0x55: {  	_ =	shalt  }
0x56: {  	_ =	shalt  }
0x57: {  	_ =	shalt  }
0x58: {  	_ =	shalt  }
0x59: {  	_ =	shalt  }
0x5a: {  	_ =	shalt  }
0x5b: {  	_ =	shalt  }
0x5c: {  	_ =	shalt  }
0x5d: {  	_ =	shalt  }
0x5e: {  	_ =	shalt  }
0x5f: {  	_ =	shalt  }
0x60: {  	_ =	shalt  }
0x61: {  	_ =	shalt  }
0x62: {  	_ =	shalt  }
0x63: {  	_ =	shalt  }
0x64: {  	_ =	shalt  }
0x65: {  	_ =	shalt  }
0x66: {  	_ =	shalt  }
0x67: {  	_ =	shalt  }
0x68: {  	_ =	shalt  }
0x69: {  	_ =	shalt  }
0x6a: {  	_ =	shalt  }
0x6b: {  	_ =	shalt  }
0x6c: {  	_ =	shalt  }
0x6d: {  	_ =	shalt  }
0x6e: {  	_ =	shalt  }
0x6f: {  	_ =	shalt  }
0x70: {  	_ =	shalt  }
0x71: {  	_ =	shalt  }
0x72: {  	_ =	shalt  }
0x73: {  	_ =	shalt  }
0x74: {  	_ =	shalt  }
0x75: {  	_ =	shalt  }
0x76: {  	_ =	shalt  }
0x77: {  	_ =	shalt  }
0x78: {  	_ =	shalt  }
0x79: {  	_ =	shalt  }
0x7a: {  	_ =	shalt  }
0x7b: {  	_ =	shalt  }
0x7c: {  	_ =	shalt  }
0x7d: {  	_ =	shalt  }
0x7e: {  	_ =	shalt  }
0x7f: {  	_ =	shalt  }
0x80: {  	_ =	shalt  }
0x81: {  	_ =	shalt  }
0x82: {  	_ =	shalt  }
0x83: {  	_ =	shalt  }
0x84: {  	_ =	shalt  }
0x85: {  	_ =	shalt  }
0x86: {  	_ =	shalt  }
0x87: {  	_ =	shalt  }
.Lfunc_end0:
.L_simem_size_0:
called_computation_lowered:
.L_overlay_start_0:
0x88: {  	s2 =	sld [smem:$0x3FD9]  }
0x89: {  	s3 =	sld [smem:$0x3FFE];
	_ =	sdelay $0x1  }
0x8a: {  	s1 =	srdreg.scid  }
0x8b: {  	s0 =	sand.u32 $0x1, s1  }
0x8c: {  	s16 =	sshll.u32 s0, $0xA;
	s2 =	sadd.s32 s3, s2  }
0x8d: {  	s2 =	sadd.s32 s2, s16  }
0x8e: {  	[smem:$0x3FC4] =	sst s2  }
0x8f: {  	_ = 	snop  }
0x90: {  	(tm) =	ssettm $0x1  }
0x91: {  	s17 =	sld [smem:$0x3FFB];
	_ =	sdelay $0x3  }
0x92: {  	_ =	strace s17  }
0x93: {  	s2 =	sld [smem:$0x3FFC];
	_ =	sdelay $0x3  }
0x94: {  	_ =	strace s2  }
0x95: {  	s2 =	sld [smem:$0x3FFD];
	_ =	sdelay $0x3  }
0x96: {  	_ =	strace s2  }
0x97: {  	_ =	strace $0x8FFFFFFF  }
0x98: {  	s18 =	sld [smem:$0x3FDB];
	_ =	sdelay $0x1  }
0x99: {  	s19 =	simm.s32 $_scs_section_size  }
0x9a: {  	s4 =	simm.s32 $_size__tile_overlayer_lowered;
	s5 =	simm.s32 $_tile_overlayer_lowered  }
0x9b: {  	s22 =	simm.s32 $0x1BFF;
	s21 =	sshll.u32 s5, $0x1;
	s2 =	sadd.s32 s19, s18  }
0x9c: {  	s6 =	simm.s32 $0x0;
	s20 =	sshll.u32 s4, $0x1;
	s4 =	sadd.s32 s21, s2  }
0x9d: {  	[timem:s6], [sflag:s22] =	dma.local [hbm:s4], s20  }
0x9e: {  	_ =	swait.ge [sflag:s22], s20  }
0x9f: {  	s3 =	ssub.s32 $0x0, s20;
	[sflag:s22] =	ssyncset.done $0x0  }
0xa0: {  	[sflag:s22] =	ssyncadd.s32 s3;
	_ =	sdelay $0x1  }
0xa1: {  	s23 =	simm.s32 $0x1B8B  }
0xa2: {  	_ =	swait.ge [sflag:s23], $0x1  }
0xa3: {  	[sflag:s23] =	ssyncset.done $0x0  }
0xa4: {  	s25 =	simm.s32 $0x1B8E;
	s24 =	sld [smem:$0x3FFE];
	[sflag:s23] =	ssyncadd.s32 $0xFFFFFFFF  }
0xa5: {  	s26 =	simm.s32 $execute0_lowered;
	[smem:$0x3FD2] =	sst s25  }
0xa6: {  	s4 =	sshll.u32 s26, $0x1;
	_ =	strace $0x80000046;
	[dreg:$0x1] =	wrdreg $0xFFFFFFFF  }
0xa7: {  	s28 =	simm.s32 $_size_execute0_lowered;
	s2 =	sadd.s32 s2, s4;
	[dreg:$0x0] =	wrdreg $0x0  }
0xa8: {  	s4 =	sshll.u32 s28, $0x1;
	[dreg:$0x2] =	wrdreg s2  }
0xa9: {  	[dreg:$0x3] =	wrdreg s4  }
0xaa: {  	[dreg:$0x4] =	wrdreg $0xC0  }
0xab: {  	_ =	task [dreg:s6], $0x5FFFF  }
0xac: {  	[dreg:$0x1] =	wrdreg $0xFFFFFFFF  }
0xad: {  	[dreg:$0x0] =	wrdreg $0x60  }
0xae: {  	[dreg:$0x2] =	wrdreg s24  }
0xaf: {  	[dreg:$0x3] =	wrdreg $0x9  }
0xb0: {  	_ =	task.clear_ibuf [dreg:s6], $0x4FFFF;
	_ =	strace $0x90000046  }
0xb1: {  	s29 =	simm.s32 $0x9;
	_ =	strace $0x80000048  }
0xb2: {  	_ =	swait.ge [sflag:s29], $0x1  }
0xb3: {  	[sflag:s29] =	ssyncadd.s32 $0xFFFFFFFF  }
0xb4: {  	_ =	strace $0x90000048  }
0xb5: {  	_ =	sfence  }
0xb6: {  	s30 =	sld [smem:$0x0];
	_ =	sdelay $0x2  }
0xb7: {  	s31 =	sshll.u32 s1, $0xD;
	s1 =	sshrl.u32 s1, $0x2  }
0xb8: {  	s3 =	sand.u32 $0x4000, s31;
	s1 =	sadd.s32 s1, s30  }
0xb9: {  	s0 =	sor.u32 s3, s0;
	s1 =	sshll.u32 s1, $0x11  }
0xba: {  	s0 =	sor.u32 s1, s0  }
0xbb: {  	s0 =	sadd.s32 $0x8F2B, s0  }
0xbc: {  	[sflag:s0] =	ssyncadd.remote.s32 $0x1  }
0xbd: {  	_ =	sfence.sel $0xFFFF  }
0xbe: {  	[dreg:$0x0] =	wrdreg $0xFFFFFFFF;
	(pc) =	sbr.abs _section_cstart, $3  }
0xbf: {  	[dreg:$0x1] =	wrdreg $0xFFFFFFFF  }
0xc0: {  	_ =	task.clear_ibuf [dreg:s6], $0x2FFFF;
	_ =	strace $0x9FFFFFFF  }
0xc1: {  	(tm) =	ssettm $0x7FFFFFFF  }
tec
execute0_lowered:
.L_overlay_start_1:
0x0: {  	(tag) =	ssettag $0x1  }
0x1: {  	s1 =	stileid.u32  }
0x2: {  	p0 =	sgt.u32 s1, $0x7  }
.Ltmp0:
0x3: {  	_ = 	snop;
	(pc) =	sbr.rel @p0 .LBB2_7-.Ltmp0, $4  }
0x4: {  	_ = 	snop  }
0x5: {  	s9 =	rddreg [dreg:$0x0];
	s2 =	simm.s32 $0x0  }
0x6: {  	[smem:$0x7FF] =	sst s2  }
0x7: {  	s0 =	rddreg [dreg:$0x1];
	_ =	strace $0x80000047  }
0x8: {  	s3 =	srdreg.scid  }
0x9: {  	s29 =	sshll.u32 s1, $0x1;
	s6 =	sshrl.u32 s1, $0x2;
	s14 =	simm.s32 $0xD00  }
0xa: {  	s15 =	simm.s32 $0x1A00;
	s16 =	simm.s32 $0x4E00;
	s17 =	simm.s32 $0x5000  }
0xb: {  	s18 =	simm.s32 $0x5D80;
	s19 =	simm.s32 $0x6B00;
	s5 =	sand.u32 $0x1, s3  }
0xc: {  	s20 =	simm.s32 $0x0;
	s8 =	smul.u32 $0x6800, s6;
	s3 =	sor.u32 s5, s29  }
0xd: {  	s6 =	sshll.u32 s6, $0xA;
	s12 =	ssub.s32 $0x2, s5;
	s4 =	smul.u32 $0x680, s3  }
0xe: {  	s7 =	sshll.u32 s3, $0x7;
	s3 =	sshll.u32 s3, $0x6;
	s13 =	sshrl.u32 s12, $0x1  }
0xf: {  	s7 =	sand.u32 $0x380, s7;
	s30 =	sadd.s32 s3, s9;
	s31 =	ssub.s32 s12, s13  }
0x10: {  	s12 =	simm.s32 $0x400;
	s13 =	simm.s32 $0x1;
	s4 =	sadd.s32 s4, s9  }
0x11: {  	s8 =	sor.u32 s8, s7;
	s6 =	sor.u32 s6, s7;
	s5 =	sadd.s32 $0x9C00, s30  }
0x12: {  	s10 =	sshrl.u32 s8, $0x3;
	s6 =	sshrl.u32 s6, $0x3;
	s4 =	sadd.s32 $0x1A00, s4  }
0x13: {  	s8 =	sadd.s32 s10, s9;
	s11 =	sadd.s32 s6, s9;
	s9 =	sadd.s32 s9, s10  }
0x14: {  	v2 =	vlaneseq.u32;
	s10 =	smax.u32 s31, $0x1;
	s3 =	sadd.s32 $0x8200, s8;
	s6 =	sadd.s32 $0xA200, s8  }
0x15: {  	v0 =	vimm.f32 $NaN;
	v1 =	vimm.s32 $0x0;
	v2 =	vor.u32 $0xD00, v2;
	s7 =	sadd.s32 $0xBC00, s8;
	s8 =	sadd.s32 $0xA000, s11;
	s11 =	simm.s32 $0x80  }
.LBB2_2:
0x16: {  	s21 =	simm.s32 $0x0  }
0x17: {  	[tilespmem:s21], [sflag:$0x1] =	stream.strided.gather [hbm4b:s9+s11], $0xD00, s12, s11, $0x38;
	[tilespmem:$0x6B80] =	vst v63  }
0x18: {  	_ =	swait.ge [sflag:s13], $0xD00  }
0x19: {  	[sflag:s13] =	ssyncset.done $0x0  }
0x1a: {  	[sflag:s13] =	ssyncadd.s32 $0xFFFFF300  }
0x1b: {  	[tilespmem:s14], [sflag:$0x1] =	stream.strided.gather [hbm4b:s3+s11], $0xD00, s12, s11, $0x38;
	[tilespmem:$0x6B80] =	vst v63  }
0x1c: {  	_ =	swait.ge [sflag:s13], $0xD00  }
0x1d: {  	[sflag:s13] =	ssyncset.done $0x0  }
0x1e: {  	[sflag:s13] =	ssyncadd.s32 $0xFFFFF300  }
0x1f: {  	[tilespmem:s15], [sflag:$0x1] =	stream.linear.gather [hbm4b:s4+s21], $0x3400, $0x38;
	[tilespmem:$0x6B80] =	vst v63  }
0x20: {  	_ =	swait.ge [sflag:s13], $0x3400  }
0x21: {  	[sflag:s13] =	ssyncset.done $0x0  }
0x22: {  	[sflag:s13] =	ssyncadd.s32 $0xFFFFCC00  }
0x23: {  	[tilespmem:s16], [sflag:$0x1] =	stream.linear.gather [hbm4b:s5+s21], $0x200, $0x38;
	[tilespmem:$0x6B80] =	vst v63  }
0x24: {  	_ =	swait.ge [sflag:s13], $0x200  }
0x25: {  	[sflag:s13] =	ssyncset.done $0x0  }
0x26: {  	s22 =	simm.s32 $0x0;
	s21 =	simm.s32 $0x40;
	[sflag:s13] =	ssyncadd.s32 $0xFFFFFE00  }
.LBB2_3:
0x27: {  	p0 =	sne.s32 s21, $0x33C0;
	[tilespmem:s22+$0x5000] =	vst v0;
	s23 =	smov.u32 s21;
	s21 =	sadd.s32 $0x40, s21  }
.Ltmp1:
0x28: {  	[tilespmem:s22+$0x5D80] =	vst v0;
	(pc) =	sbr.rel @p0 .LBB2_3-.Ltmp1, $2  }
0x29: {  	_ =	sdelay $0x2  }
0x2a: {  	s22 =	sshra.s32 s23, $0x2  }
0x2b: {  	[tilespmem:s22+$0x5000] =	vst v0  }
0x2c: {  	[tilespmem:s22+$0x5D80] =	vst v0  }
0x2d: {  	v6 =	vld [tilespmem:$0x4E00]  }
0x2e: {  	v4 =	vld [tilespmem:$0x4E80]  }
0x2f: {  	v8 =	vld [tilespmem:$0x4F00]  }
0x30: {  	v7 =	vld [tilespmem:$0x4F80];
	_ =	sdelay $0x2  }
0x31: {  	s21 =	simm.s32 $0x0  }
0x32: {  	s31 =	sand.u32 $0x70, s21;
	s23 =	sand.u32 $0x3E00, s21  }
0x33: {  	s23 =	sor.u32 s31, s23;
	v3 =	vsub.f32 v8, v6;
	v5 =	vsub.f32 v7, v4  }
0x34: {  	v9 =	vld [tilespmem:s23+$0x1B00]  }
0x35: {  	s22 =	simm.s32 $0x10;
	v10 =	vld [tilespmem:s23+$0x1A00];
	v5 =	vmul.f32 v5, v3;
	v3 =	vimm.s32 $0x0  }
.LBB2_5:
0x36: {  	p0 =	sne.s32 s22, $0xCF0;
	v11 =	vld [tilespmem:s23+$0x1B80]  }
0x37: {  	v12 =	vld [tilespmem:s23+$0x1A80];
	_ =	sdelay $0x3  }
0x38: {  	v13 =	vmin.f32 v8, v9;
	v14 =	vmax.f32 v6, v10;
	v9 =	vsub.f32 v9, v10  }
0x39: {  	s23 =	sshra.s32 s21, $0x2;
	v10 =	vmin.f32 v7, v11;
	v15 =	vmax.f32 v4, v12;
	v11 =	vsub.f32 v11, v12  }
0x3a: {  	v13 =	vsub.f32 v13, v14;
	v12 =	vld [tilespmem:s23+$0xD00];
	v10 =	vsub.f32 v10, v15  }
0x3b: {  	v14 =	vld [tilespmem:s23+$0x0];
	v9 =	vmul.f32 v11, v9  }
0x3c: {  	v11 =	vmax.f32 v13, $0.0e+00;
	v10 =	vmax.f32 v10, $0.0e+00  }
0x3d: {  	v10 =	vmul.f32 v10, v11;
	v9 =	vadd.f32 v9, v5;
	_ =	sdelay $0x1  }
0x3e: {  	v9 =	vsub.f32 v9, v10;
	vm0 =	vgt.s32 v12, $0x0  }
0x3f: {  	v11 =	vmul.f32 $1.442695020e+00, v14;
	v12 =	vsel vm0, $0xFFFFFFFF, v1;
	v13 =	vsel vm0, $0x1, v1  }
0x40: {  	(erf) = vrcp.f32 v9;
	(xrf0) =	vadd.scan.msk.s32 $0xffff, v13  }
0x41: {  	(erf) = vpow2.f32 v11;
	_ =	sdelay $0x4  }
0x42: {  	v9 =	vadd.s32 v12, v3;
	v11, _, _ =	vpop (xrf0)  }
0x43: {  	v9 =	vadd.s32 v11, v9;
	v12 =	vbroadcast v11, $0xF  }
0x44: {  	v9 =	vsel vm0, v9, v2  }
0x45: {  	v3 =	vadd.s32 v3, v12;
	v11 =	vpop (erf)  }
0x46: {  	v10 =	vmul.f32 v11, v10;
	v11 =	vpop (erf)  }
0x47: {  	v11 =	vmul.f32 $-4.328084950e+00, v11  }
.Ltmp2:
0x48: {  	s21 =	sadd.s32 $0x40, s21;
	v10 =	vmul.f32 $-4.328084950e+00, v10;
	(pc) =	sbr.rel @p0 .LBB2_5-.Ltmp2, $4  }
0x49: {  	s24 =	sand.u32 $0x3E00, s21;
	s23 =	sand.u32 $0x70, s22;
	[tilespmem:v9+s17+$0x0] =	vst.idx.msk $0xffff, v11  }
0x4a: {  	s23 =	sor.u32 s23, s24;
	[tilespmem:v9+s18+$0x0] =	vst.idx.msk $0xffff, v10  }
0x4b: {  	v9 =	vld [tilespmem:s23+$0x1B00]  }
0x4c: {  	s22 =	sadd.s32 $0x10, s22;
	v10 =	vld [tilespmem:s23+$0x1A00]  }
0x4d: {  	v11 =	vld [tilespmem:s23+$0x1B80]  }
0x4e: {  	v12 =	vld [tilespmem:s23+$0x1A80];
	_ =	sdelay $0x3  }
0x4f: {  	v8 =	vmin.f32 v8, v9;
	v6 =	vmax.f32 v6, v10;
	v53 =	vsub.f32 v9, v10  }
0x50: {  	s21 =	sshra.s32 s21, $0x2;
	v7 =	vmin.f32 v7, v11;
	v4 =	vmax.f32 v4, v12;
	v54 =	vsub.f32 v11, v12  }
0x51: {  	v55 =	vld [tilespmem:s21+$0xD00];
	v6 =	vsub.f32 v8, v6;
	v4 =	vsub.f32 v7, v4  }
0x52: {  	v56 =	vld [tilespmem:s21+$0x0];
	v57 =	vmul.f32 v54, v53  }
0x53: {  	v6 =	vmax.f32 v6, $0.0e+00;
	v4 =	vmax.f32 v4, $0.0e+00  }
0x54: {  	v4 =	vmul.f32 v4, v6;
	v5 =	vadd.f32 v57, v5;
	_ =	sdelay $0x1  }
0x55: {  	vm0 =	vgt.s32 v55, $0x0;
	v5 =	vsub.f32 v5, v4  }
0x56: {  	v58 =	vmul.f32 $1.442695020e+00, v56;
	v59 =	vsel vm0, $0x1, v1  }
0x57: {  	(xrf0) =	vadd.scan.msk.s32 $0xffff, v59;
	(erf) = vrcp.f32 v5  }
0x58: {  	(erf) = vpow2.f32 v58;
	_ =	sdelay $0x3  }
0x59: {  	v60 =	vsel vm0, $0xFFFFFFFF, v1  }
0x5a: {  	v5 =	vadd.s32 v60, v3;
	v61, _, _ =	vpop (xrf0)  }
0x5b: {  	v5 =	vadd.s32 v61, v5  }
0x5c: {  	v5 =	vsel vm0, v5, v2  }
0x5d: {  	v62 =	vpop (erf)  }
0x5e: {  	v4 =	vmul.f32 v62, v4;
	v63 =	vpop (erf)  }
0x5f: {  	v7 =	vmul.f32 $-4.328084950e+00, v63  }
0x60: {  	v6 =	vbroadcast v61, $0xF;
	v4 =	vmul.f32 $-4.328084950e+00, v4  }
0x61: {  	[tilespmem:v5+s17+$0x0] =	vst.idx.msk $0xffff, v7  }
0x62: {  	v3 =	vadd.s32 v3, v6;
	[tilespmem:v5+s18+$0x0] =	vst.idx.msk $0xffff, v4  }
0x63: {  	[tilespmem:$0x6B00] =	vst v3  }
0x64: {  	[hbm4b:s6+s11] =	stream.strided.scatter [tilespmem:s17], [sflag:$0x1], $0xD00, s12, s11, $0x38;
	[tilespmem:$0x6B80] =	vst v63  }
0x65: {  	_ =	swait.ge [sflag:s13], $0xD00  }
0x66: {  	[sflag:s13] =	ssyncset.done $0x0  }
0x67: {  	[sflag:s13] =	ssyncadd.s32 $0xFFFFF300  }
0x68: {  	[hbm4b:s7+s11] =	stream.strided.scatter [tilespmem:s18], [sflag:$0x1], $0xD00, s12, s11, $0x38;
	[tilespmem:$0x6B80] =	vst v63  }
0x69: {  	s20 =	sadd.s32 $0x1, s20;
	_ =	swait.ge [sflag:s13], $0xD00  }
0x6a: {  	p0 =	sne.s32 s20, s10;
	[sflag:s13] =	ssyncset.done $0x0  }
.Ltmp3:
0x6b: {  	[sflag:s13] =	ssyncadd.s32 $0xFFFFF300;
	(pc) =	sbr.rel @p0 .LBB2_2-.Ltmp3, $4  }
0x6c: {  	[hbm4b:s8+s2] =	stream.linear.scatter [tilespmem:s19], [sflag:$0x1], $0x80, $0x38;
	[tilespmem:$0x6B80] =	vst v63  }
0x6d: {  	_ =	swait.ge [sflag:s13], $0x80  }
0x6e: {  	[sflag:s13] =	ssyncset.done $0x0  }
0x6f: {  	[sflag:s13] =	ssyncadd.s32 $0xFFFFFF80  }
.LBB2_7:
0x70: {  	_ =	sfence.sel $0x180000  }
0x71: {  	[bflag:$0x0] =	sbarrier.arrive $0xFFFF  }
0x72: {  	p0 =	sne.s32 s1, $0x0;
	_ =	strace $0x90000047  }
0x73: {  	s0 =	sadd.s32 @!p0 $0x100000, s0;
	[bflag:$0x2] =	sbarrier.arrive $0xFFFF  }
0x74: {  	[sflag:s0] =	ssyncadd.tile.s32 @!p0 $0x1;
	_ =	shalt  }
.Lfunc_end2:
_tile_overlayer_lowered:
.L_overlay_start_2:
0x75: {  	(tag) =	ssettag $0x2  }
0x76: {  	s0 =	rddreg [dreg:$0x0];
	s2 =	stileid.u32  }
0x77: {  	s1 =	rddreg [dreg:$0x1];
	p0 =	sne.s32 s2, $0x0  }
0x78: {  	s3 =	rddreg [dreg:$0x2];
	[bflag:$0x3] =	sbarrier.arrive $0xFFFF;
	s2 =	simm.s32 @!p0 $0x1C01  }
0x79: {  	[timem:s3], [sflag:s2] =	dma.local @!p0 [hbm:s0], s1  }
0x7a: {  	s0 =	simm.s32 @!p0 $0x1  }
0x7b: {  	_ =	swait.ge @!p0 [sflag:s0], s1  }
0x7c: {  	s1 =	ssub.s32 @!p0 $0x0, s1;
	[sflag:s0] =	ssyncset.done @!p0 $0x0  }
0x7d: {  	[sflag:s0] =	ssyncadd.s32 @!p0 s1  }
0x7e: {  	[bflag:$0x3] =	sbarrier.arrive $0xFFFF  }
0x7f: {  	_ =	shalt  }

</sc_bundles>
